<compile_context>
chip_gen: v7x
topology: tpu7x:2x2x1
jax: 0.10.2.dev20260603
libtpu: 0.0.44.dev20260713+nightly
codegen_flags: <defaults>
</compile_context>

<pallas_src>
import functools

import jax
import jax.numpy as jnp
from jax import lax
from jax.experimental import pallas as pl
from jax.experimental.pallas import tpu as pltpu, tpu_sc as plsc

PENALTY = 0.1
NEG_SLOPE = 0.01
_N = 1024
_E = 16384
_NW = 32
_RPW = _N // _NW


_sc_mesh = plsc.VectorSubcoreMesh(core_axis_name="c", subcore_axis_name="s")


@functools.partial(
    pl.kernel, mesh=_sc_mesh,
    out_type=jax.ShapeDtypeStruct((_N, _N), jnp.float32),
    compiler_params=pltpu.CompilerParams(needs_layout_passes=False),
    scratch_types=[
        pltpu.VMEM((_RPW, _N), jnp.float32),
        pltpu.VMEM((_E,), jnp.int32),
        pltpu.VMEM((_E,), jnp.int32),
    ],
)
def _build_adjacency(src_hbm, dst_hbm, a_hbm, a_v, src_v, dst_v):
    wid = lax.axis_index("s") * 2 + lax.axis_index("c")
    base = wid * _RPW
    pltpu.sync_copy(src_hbm, src_v)
    pltpu.sync_copy(dst_hbm, dst_v)

    zeros16 = jnp.zeros((16,), jnp.float32)

    def zbody(j, _):
        def zrow(k, _2):
            a_v[j, pl.ds(k * 16, 16)] = zeros16
            return 0
        lax.fori_loop(0, _N // 16, zrow, 0)
        return 0

    lax.fori_loop(0, _RPW, zbody, 0)

    ones16 = jnp.ones((16,), jnp.float32)

    def ebody(i, _):
        s_v = src_v[pl.ds(i * 16, 16)]
        d_v = dst_v[pl.ds(i * 16, 16)]
        rel = d_v - base
        msk = jnp.logical_and(rel >= 0, rel < _RPW)
        row = jnp.where(msk, rel, 0)
        col = jnp.where(msk, s_v, 0)
        plsc.addupdate_scatter(a_v, [row, col], ones16, mask=msk)
        return 0

    lax.fori_loop(0, _E // 16, ebody, 0)
    pltpu.sync_copy(a_v, a_hbm.at[pl.ds(base, _RPW)])


def _lrelu(v):
    return jnp.where(v >= 0, v, NEG_SLOPE * v)


def _dot_hi(a, b):
    return jnp.dot(a, b, preferred_element_type=jnp.float32,
                   precision=lax.Precision.HIGHEST)


def _seg_dot(a16, v):
    f32 = jnp.float32
    hi = v.astype(jnp.bfloat16)
    r1 = v - hi.astype(f32)
    mid = r1.astype(jnp.bfloat16)
    lo = (r1 - mid.astype(f32)).astype(jnp.bfloat16)
    acc = jnp.dot(a16, hi, preferred_element_type=f32)
    acc = acc + jnp.dot(a16, mid, preferred_element_type=f32)
    acc = acc + jnp.dot(a16, lo, preferred_element_type=f32)
    return acc


def _stnet_body(x_ref, a_ref, Wg_ref, bg_ref, Wggc_ref, Wih_ref,
                Whh_ref, bih_ref, bhh_ref, W1_ref, b1_ref, W2_ref, b2_ref,
                s_ref, min_ref, loss_ref):
    f32 = jnp.float32
    n = x_ref.shape[0]
    num_l = Wggc_ref.shape[0]
    h_dim = Wg_ref.shape[1]

    iota_col = lax.broadcasted_iota(jnp.int32, (n, 1), 0)
    iota_row = lax.broadcasted_iota(jnp.int32, (1, n), 1)

    A = a_ref[...]

    rowsum = jnp.sum(A, axis=1, keepdims=True)
    deg = jnp.maximum(rowsum, 1.0)
    r = lax.rsqrt(deg)
    A16 = A.astype(jnp.bfloat16)

    xw = jnp.dot(x_ref[...], Wg_ref[...], preferred_element_type=f32)
    agg = r * _seg_dot(A16, r * xw) + bg_ref[...]
    x1 = _lrelu(agg)

    h = x1
    for i in range(num_l):
        hw = jnp.dot(h, Wggc_ref[i], preferred_element_type=f32)
        m = _seg_dot(A16, hw)
        gi = jnp.dot(m, Wih_ref[...], preferred_element_type=f32) + bih_ref[...]
        gh = jnp.dot(h, Whh_ref[...], preferred_element_type=f32) + bhh_ref[...]
        rg = jax.nn.sigmoid(gi[:, :h_dim] + gh[:, :h_dim])
        z = jax.nn.sigmoid(gi[:, h_dim:2 * h_dim] + gh[:, h_dim:2 * h_dim])
        nn_ = jnp.tanh(gi[:, 2 * h_dim:] + rg * gh[:, 2 * h_dim:])
        h = (1.0 - z) * nn_ + z * h

    x2 = _lrelu(h) + x1
    x3 = _lrelu(jnp.dot(x2, W1_ref[...], preferred_element_type=f32) + b1_ref[...])
    xf_col = jax.nn.sigmoid(_lrelu(jnp.dot(x3, W2_ref[...],
                                           preferred_element_type=f32) + b2_ref[...]))

    eye = (iota_col == iota_row).astype(f32)
    xf_row = lax.dot_general(xf_col, eye, (((0,), (0,)), ((), ())),
                             preferred_element_type=f32,
                             precision=lax.Precision.HIGHEST)

    gt = (xf_col > xf_row).astype(f32)
    tie = jnp.logical_and(xf_col == xf_row, iota_col < iota_row).astype(f32)
    rank_row = jnp.sum(gt + tie, axis=0, keepdims=True)

    icolf = iota_col.astype(f32)
    M = (rank_row <= icolf).astype(f32)
    colsum = lax.dot_general(A, jnp.ones((n, 1), f32), (((0,), (0,)), ((), ())),
                             preferred_element_type=f32)
    rc = rowsum + colsum
    t12 = jnp.dot(M, rc, preferred_element_type=f32)
    Bm = jnp.dot(M, A, preferred_element_type=f32)
    t3 = jnp.sum(Bm * M, axis=1, keepdims=True)
    cut = t12 - 2.0 * t3
    f_unreg = -cut
    f_sets = f_unreg + PENALTY * (icolf + 1.0)

    s_ref[...] = xf_col
    min_ref[...] = jnp.min(f_unreg, axis=0, keepdims=True)
    loss_ref[...] = jnp.sum(f_sets, axis=0, keepdims=True) / n


def kernel(x, edge_index, batch, W_gcn, b_gcn, W_ggc, W_ih, W_hh, b_ih, b_hh,
           W_lin1, b_lin1, W_lin2, b_lin2):
    n = x.shape[0]
    f32 = jnp.float32
    A = _build_adjacency(edge_index[0], edge_index[1])
    s, mn, ls = pl.pallas_call(
        _stnet_body,
        out_shape=(
            jax.ShapeDtypeStruct((n, 1), f32),
            jax.ShapeDtypeStruct((1, 1), f32),
            jax.ShapeDtypeStruct((1, 1), f32),
        ),
    )(x, A, W_gcn, b_gcn, W_ggc, W_ih, W_hh, b_ih, b_hh,
      W_lin1, b_lin1, W_lin2, b_lin2)
    return (s, mn.reshape(()), ls.reshape(()))

# --- scband reference (transcript-rebuilt; emitter-appended) ---
"""Pipeline reference for scband-stnet-1640677507202 (READ-ONLY COPY).

The authoritative reference and input builder live on the scoring server;
editing this copy changes nothing except your own understanding.
"""

import jax, jax.numpy as jnp
import numpy as np

N = 1024
E = 16384
D_IN = 128
H = 256
L = 3
PENALTY = 0.1


def setup_inputs(seed: int = 0) -> dict:
    key = jax.random.key(seed)
    ks = jax.random.split(key, 16)
    x = jax.random.normal(ks[0], (N, D_IN), dtype=jnp.float32)
    edge_index = jax.random.randint(ks[1], (2, E), 0, N, dtype=jnp.int32)
    batch = jnp.zeros((N,), dtype=jnp.int32)
    sc = 0.1
    W_gcn = sc * jax.random.normal(ks[2], (D_IN, H), dtype=jnp.float32)
    b_gcn = jnp.zeros((H,), dtype=jnp.float32)
    W_ggc = sc * jax.random.normal(ks[3], (L, H, H), dtype=jnp.float32)
    W_ih = sc * jax.random.normal(ks[4], (H, 3 * H), dtype=jnp.float32)
    W_hh = sc * jax.random.normal(ks[5], (H, 3 * H), dtype=jnp.float32)
    b_ih = jnp.zeros((3 * H,), dtype=jnp.float32)
    b_hh = jnp.zeros((3 * H,), dtype=jnp.float32)
    W_lin1 = sc * jax.random.normal(ks[6], (H, H), dtype=jnp.float32)
    b_lin1 = jnp.zeros((H,), dtype=jnp.float32)
    W_lin2 = sc * jax.random.normal(ks[7], (H, 1), dtype=jnp.float32)
    b_lin2 = jnp.zeros((1,), dtype=jnp.float32)
    return {"x": x, "edge_index": edge_index, "batch": batch,
            "W_gcn": W_gcn, "b_gcn": b_gcn, "W_ggc": W_ggc,
            "W_ih": W_ih, "W_hh": W_hh, "b_ih": b_ih, "b_hh": b_hh,
            "W_lin1": W_lin1, "b_lin1": b_lin1, "W_lin2": W_lin2, "b_lin2": b_lin2}


def _gru(m, h, W_ih, W_hh, b_ih, b_hh):
    gi = m @ W_ih + b_ih
    gh = h @ W_hh + b_hh
    i_r, i_z, i_n = jnp.split(gi, 3, axis=-1)
    h_r, h_z, h_n = jnp.split(gh, 3, axis=-1)
    r = jax.nn.sigmoid(i_r + h_r)
    z = jax.nn.sigmoid(i_z + h_z)
    nn = jnp.tanh(i_n + r * h_n)
    return (1.0 - z) * nn + z * h


def reference(x, edge_index, batch, W_gcn, b_gcn, W_ggc, W_ih, W_hh, b_ih, b_hh, W_lin1, b_lin1, W_lin2, b_lin2):
    src = edge_index[0]
    dst = edge_index[1]
    n = x.shape[0]
    # GCN-style first conv: symmetric degree normalization + scatter-add
    ones = jnp.ones((src.shape[0],), dtype=x.dtype)
    deg = jnp.maximum(jax.ops.segment_sum(ones, dst, num_segments=n), 1.0)
    norm = jax.lax.rsqrt(deg[src] * deg[dst])
    xw = x @ W_gcn
    agg = jax.ops.segment_sum(xw[src] * norm[:, None], dst, num_segments=n) + b_gcn
    x1 = jax.nn.leaky_relu(agg)
    # GatedGraphConv: L rounds of message passing + GRU update, residual add
    h = x1
    for i in range(L):
        m = jax.ops.segment_sum((h @ W_ggc[i])[src], dst, num_segments=n)
        h = _gru(m, h, W_ih, W_hh, b_ih, b_hh)
    x2 = jax.nn.leaky_relu(h) + x1
    # MLP head -> per-node selection probability
    x3 = jax.nn.leaky_relu(x2 @ W_lin1 + b_lin1)
    s = jax.nn.sigmoid(jax.nn.leaky_relu(x3 @ W_lin2 + b_lin2))
    xf = s[:, 0]
    # straight-through level sets: sort descending, top-i masks for i=1..N
    order = jnp.argsort(-xf)
    rank = jnp.argsort(order)
    level = (rank[None, :] <= jnp.arange(n)[:, None]).astype(xf.dtype)
    level = level + xf[None, :] - jax.lax.stop_gradient(xf)[None, :]
    # set function (maxcut objective) evaluated on every level set
    s_src = level[:, src]
    s_dst = level[:, dst]
    cut = jnp.sum(s_src * (1.0 - s_dst) + (1.0 - s_src) * s_dst, axis=-1)
    f_unreg = -cut
    f_sets = f_unreg + PENALTY * jnp.sum(level, axis=-1)
    loss = jnp.mean(f_sets)
    min_set_val = jnp.min(f_unreg)
    return (s, min_set_val, loss)

if __name__ == "__main__":
    import jax
    _d = setup_inputs()
    print(jax.jit(kernel)(*tuple(_d.values())))

</pallas_src>

<mosaic_0001>
#map = affine_map<(d0, d1) -> (0)>
#map1 = affine_map<(d0, d1) -> (0, 0)>
module attributes {stable_mosaic.version = 14 : i64} {
  func.func @_build_adjacency(%arg0: i32, %arg1: i32, %arg2: memref<16384xi32, #tpu.memory_space<hbm>>, %arg3: memref<16384xi32, #tpu.memory_space<hbm>>, %arg4: memref<1024x1024xf32, #tpu.memory_space<hbm>>, %arg5: memref<32x1024xf32, #tpu.memory_space<vmem>>, %arg6: memref<16384xi32, #tpu.memory_space<vmem>>, %arg7: memref<16384xi32, #tpu.memory_space<vmem>>) attributes {dimension_semantics = [#tpu.dimension_semantics<core_parallel>, #tpu.dimension_semantics<subcore_parallel>], iteration_bounds = array<i64: 2, 16>, scalar_prefetch = 0 : i64, scratch_operands = 3 : i64, tpu.core_type = #tpu.core_type<sc_vector_subcore>, window_params = [{transform_indices = #map}, {transform_indices = #map}, {transform_indices = #map1}]} {
    %mul3A = arith.constant 2 : i32
    %mul3A_0 = arith.muli %arg1, %mul3A : i32
    %add3A = arith.addi %mul3A_0, %arg0 : i32
    %mul3A_1 = arith.constant 32 : i32
    %mul3A_2 = arith.muli %add3A, %mul3A_1 : i32
    "tpu.region"() ({
      %run_scoped3A = tpu.sem_alloc : memref<!tpu.dma_semaphore, #tpu.memory_space<semaphore_mem>>
      tpu.enqueue_dma source(%arg2 : memref<16384xi32, #tpu.memory_space<hbm>>) target(%arg6 : memref<16384xi32, #tpu.memory_space<vmem>>) target_semaphore(%run_scoped3A : memref<!tpu.dma_semaphore, #tpu.memory_space<semaphore_mem>>)
      tpu.wait_dma2 semaphore(%run_scoped3A : memref<!tpu.dma_semaphore, #tpu.memory_space<semaphore_mem>>) src(%arg2 : memref<16384xi32, #tpu.memory_space<hbm>>) dst(%arg6 : memref<16384xi32, #tpu.memory_space<vmem>>)
      tpu.yield
    }) : () -> ()
    "tpu.region"() ({
      %run_scoped3A = tpu.sem_alloc : memref<!tpu.dma_semaphore, #tpu.memory_space<semaphore_mem>>
      tpu.enqueue_dma source(%arg3 : memref<16384xi32, #tpu.memory_space<hbm>>) target(%arg7 : memref<16384xi32, #tpu.memory_space<vmem>>) target_semaphore(%run_scoped3A : memref<!tpu.dma_semaphore, #tpu.memory_space<semaphore_mem>>)
      tpu.wait_dma2 semaphore(%run_scoped3A : memref<!tpu.dma_semaphore, #tpu.memory_space<semaphore_mem>>) src(%arg3 : memref<16384xi32, #tpu.memory_space<hbm>>) dst(%arg7 : memref<16384xi32, #tpu.memory_space<vmem>>)
      tpu.yield
    }) : () -> ()
    %broadcast_in_dim3A = arith.constant 0.000000e+00 : f32
    %broadcast_in_dim3A_3 = vector.broadcast %broadcast_in_dim3A : f32 to vector<16xf32>
    %scan3A = arith.constant 0 : i32
    %scan3A_4 = arith.constant 0 : i32
    %scan3A_5 = arith.constant 32 : i32
    %scan3A_6 = arith.addi %scan3A_4, %scan3A_5 : i32
    %scan3A_7 = arith.constant 1 : i32
    %scan3A_8 = scf.for %scan3A_19 = %scan3A_4 to %scan3A_6 step %scan3A_7 iter_args(%scan3A_20 = %scan3A) -> (i32)  : i32 {
      %scan3A_21 = arith.constant 0 : i32
      %scan3A_22 = arith.constant 0 : i32
      %scan3A_23 = arith.constant 64 : i32
      %scan3A_24 = arith.addi %scan3A_22, %scan3A_23 : i32
      %scan3A_25 = arith.constant 1 : i32
      %scan3A_26 = scf.for %scan3A_29 = %scan3A_22 to %scan3A_24 step %scan3A_25 iter_args(%scan3A_30 = %scan3A_21) -> (i32)  : i32 {
        %mul3A_31 = arith.constant 16 : i32
        %mul3A_32 = arith.muli %scan3A_29, %mul3A_31 : i32
        %swap3A = arith.index_cast %scan3A_19 : i32 to index
        %swap3A_33 = arith.index_cast %mul3A_32 : i32 to index
        %swap3A_34 = tpu.vector_load %arg5[%swap3A, %swap3A_33] {strides = array<i32>} : memref<32x1024xf32, #tpu.memory_space<vmem>>, vector<16xf32>,
        tpu.vector_store %arg5[%swap3A, %swap3A_33], %broadcast_in_dim3A_3 {strides = array<i32>} : memref<32x1024xf32, #tpu.memory_space<vmem>>, vector<16xf32>,
        %scan3A_35 = arith.constant 0 : i32
        scf.yield %scan3A_35 : i32
      }
      %scan3A_27 = arith.constant 64 : i32
      %scan3A_28 = arith.constant 0 : i32
      scf.yield %scan3A_28 : i32
    }
    %scan3A_9 = arith.constant 32 : i32
    %broadcast_in_dim3A_10 = arith.constant 1.000000e+00 : f32
    %broadcast_in_dim3A_11 = vector.broadcast %broadcast_in_dim3A_10 : f32 to vector<16xf32>
    %scan3A_12 = arith.constant 0 : i32
    %scan3A_13 = arith.constant 0 : i32
    %scan3A_14 = arith.constant 1024 : i32
    %scan3A_15 = arith.addi %scan3A_13, %scan3A_14 : i32
    %scan3A_16 = arith.constant 1 : i32
    %scan3A_17 = scf.for %scan3A_19 = %scan3A_13 to %scan3A_15 step %scan3A_16 iter_args(%scan3A_20 = %scan3A_12) -> (i32)  : i32 {
      %mul3A_21 = arith.constant 16 : i32
      %mul3A_22 = arith.muli %scan3A_19, %mul3A_21 : i32
      %get3A = arith.index_cast %mul3A_22 : i32 to index
      %get3A_23 = tpu.vector_load %arg6[%get3A] {strides = array<i32>} : memref<16384xi32, #tpu.memory_space<vmem>>, vector<16xi32>,
      %mul3A_24 = arith.constant 16 : i32
      %mul3A_25 = arith.muli %scan3A_19, %mul3A_24 : i32
      %get3A_26 = arith.index_cast %mul3A_25 : i32 to index
      %get3A_27 = tpu.vector_load %arg7[%get3A_26] {strides = array<i32>} : memref<16384xi32, #tpu.memory_space<vmem>>, vector<16xi32>,
      %sub3A = vector.broadcast %mul3A_2 : i32 to vector<16xi32>
      %sub3A_28 = arith.subi %get3A_27, %sub3A : vector<16xi32>
      %ge3A = arith.constant 0 : i32
      %ge3A_29 = vector.broadcast %ge3A : i32 to vector<16xi32>
      %ge3A_30 = arith.cmpi sge, %sub3A_28, %ge3A_29 : vector<16xi32>
      %lt3A = arith.constant 32 : i32
      %lt3A_31 = vector.broadcast %lt3A : i32 to vector<16xi32>
      %lt3A_32 = arith.cmpi slt, %sub3A_28, %lt3A_31 : vector<16xi32>
      %and3A = arith.andi %ge3A_30, %lt3A_32 : vector<16xi1>
      %jit3A = arith.constant 0 : i32
      %broadcast_in_dim3A_33 = vector.broadcast %jit3A : i32 to vector<16xi32>
      %select_n3A = arith.select %and3A, %sub3A_28, %broadcast_in_dim3A_33 : vector<16xi1>, vector<16xi32>
      %jit3A_34 = arith.constant 0 : i32
      %broadcast_in_dim3A_35 = vector.broadcast %jit3A_34 : i32 to vector<16xi32>
      %select_n3A_36 = arith.select %and3A, %get3A_23, %broadcast_in_dim3A_35 : vector<16xi1>, vector<16xi32>
      tpu.vector_store_idx %arg5[%select_n3A, %select_n3A_36], %broadcast_in_dim3A_11 masked %and3A {add = true} : memref<32x1024xf32, #tpu.memory_space<vmem>>[vector<16xi32>, vector<16xi32>], vector<16xf32>, vector<16xi1>
      %scan3A_37 = arith.constant 0 : i32
      scf.yield %scan3A_37 : i32
    }
    %scan3A_18 = arith.constant 1024 : i32
    "tpu.region"() ({
      %run_scoped3A = tpu.sem_alloc : memref<!tpu.dma_semaphore, #tpu.memory_space<semaphore_mem>>
      %dma_start3A = arith.constant 0 : i32
      %dma_start3A_19 = tpu.memref_slice %arg4[%mul3A_2, %dma_start3A] : memref<1024x1024xf32, #tpu.memory_space<hbm>> -> memref<32x1024xf32, #tpu.memory_space<hbm>>
      %dma_start3A_20 = arith.constant 0 : i32
      %dma_start3A_21 = tpu.memref_slice %arg4[%mul3A_2, %dma_start3A_20] : memref<1024x1024xf32, #tpu.memory_space<hbm>> -> memref<32x1024xf32, #tpu.memory_space<hbm>>
      tpu.enqueue_dma source(%arg5 : memref<32x1024xf32, #tpu.memory_space<vmem>>) target(%dma_start3A_21 : memref<32x1024xf32, #tpu.memory_space<hbm>>) target_semaphore(%run_scoped3A : memref<!tpu.dma_semaphore, #tpu.memory_space<semaphore_mem>>)
      %dma_wait3A = arith.constant 0 : i32
      %dma_wait3A_22 = tpu.memref_slice %arg4[%mul3A_2, %dma_wait3A] : memref<1024x1024xf32, #tpu.memory_space<hbm>> -> memref<32x1024xf32, #tpu.memory_space<hbm>>
      %dma_wait3A_23 = arith.constant 0 : i32
      %dma_wait3A_24 = tpu.memref_slice %arg4[%mul3A_2, %dma_wait3A_23] : memref<1024x1024xf32, #tpu.memory_space<hbm>> -> memref<32x1024xf32, #tpu.memory_space<hbm>>
      tpu.wait_dma2 semaphore(%run_scoped3A : memref<!tpu.dma_semaphore, #tpu.memory_space<semaphore_mem>>) src(%arg5 : memref<32x1024xf32, #tpu.memory_space<vmem>>) dst(%dma_wait3A_24 : memref<32x1024xf32, #tpu.memory_space<hbm>>)
      tpu.yield
    }) : () -> ()
    return
  }
}

module attributes {stable_mosaic.version = 14 : i64} {
  func.func @_stnet_body(%arg0: memref<1024x128xf32, #tpu.memory_space<vmem>>, %arg1: memref<1024x1024xf32, #tpu.memory_space<vmem>>, %arg2: memref<128x256xf32, #tpu.memory_space<vmem>>, %arg3: memref<256xf32, #tpu.memory_space<vmem>>, %arg4: memref<3x256x256xf32, #tpu.memory_space<vmem>>, %arg5: memref<256x768xf32, #tpu.memory_space<vmem>>, %arg6: memref<256x768xf32, #tpu.memory_space<vmem>>, %arg7: memref<768xf32, #tpu.memory_space<vmem>>, %arg8: memref<768xf32, #tpu.memory_space<vmem>>, %arg9: memref<256x256xf32, #tpu.memory_space<vmem>>, %arg10: memref<256xf32, #tpu.memory_space<vmem>>, %arg11: memref<256x1xf32, #tpu.memory_space<vmem>>, %arg12: memref<1xf32, #tpu.memory_space<vmem>>, %arg13: memref<1024x1xf32, #tpu.memory_space<vmem>>, %arg14: memref<1x1xf32, #tpu.memory_space<vmem>>, %arg15: memref<1x1xf32, #tpu.memory_space<vmem>>) attributes {dimension_semantics = [], scalar_prefetch = 0 : i64, scratch_operands = 0 : i64, tpu.core_type = #tpu.core_type<tc>} {
    %iota3A = tpu.iota {dimensions = array<i32: 0>} : vector<1024x1xi32>
    %iota3A_0 = tpu.iota {dimensions = array<i32: 1>} : vector<1x1024xi32>
    %get3A = arith.constant 0 : index
    %get3A_1 = arith.constant 0 : index
    %get3A_2 = vector.load %arg1[%get3A, %get3A_1] : memref<1024x1024xf32, #tpu.memory_space<vmem>>, vector<1024x1024xf32>
    %reduce_sum3A = arith.constant dense<0.000000e+00> : vector<1024xf32>
    %reduce_sum3A_3 = vector.multi_reduction <add>, %get3A_2, %reduce_sum3A [1] : vector<1024x1024xf32> to vector<1024xf32>
    %broadcast_in_dim3A = vector.shape_cast %reduce_sum3A_3 : vector<1024xf32> to vector<1024x1xf32>
    %max3A = arith.constant 1.000000e+00 : f32
    %max3A_4 = vector.broadcast %max3A : f32 to vector<1024x1xf32>
    %max3A_5 = arith.maximumf %broadcast_in_dim3A, %max3A_4 : vector<1024x1xf32>
    %rsqrt3A = math.rsqrt %max3A_5 : vector<1024x1xf32>
    %convert_element_type3A = arith.truncf %get3A_2 : vector<1024x1024xf32> to vector<1024x1024xbf16>
    %get3A_6 = arith.constant 0 : index
    %get3A_7 = arith.constant 0 : index
    %get3A_8 = vector.load %arg0[%get3A_6, %get3A_7] : memref<1024x128xf32, #tpu.memory_space<vmem>>, vector<1024x128xf32>
    %get3A_9 = arith.constant 0 : index
    %get3A_10 = arith.constant 0 : index
    %get3A_11 = vector.load %arg2[%get3A_9, %get3A_10] : memref<128x256xf32, #tpu.memory_space<vmem>>, vector<128x256xf32>
    %dot_general3A = arith.constant dense<0.000000e+00> : vector<1024x256xf32>
    %dot_general3A_12 = tpu.matmul %get3A_8, %get3A_11, %dot_general3A {dimension_numbers = #tpu.dot_dimension_numbers<[1], [0], [0], [1], [0, 0, 1, 1], [], []>, transpose_lhs_hint = false} : vector<1024x128xf32>, vector<128x256xf32>, vector<1024x256xf32> -> vector<1024x256xf32>
    %mul3A = vector.broadcast %rsqrt3A : vector<1024x1xf32> to vector<1024x256xf32>
    %mul3A_13 = arith.mulf %mul3A, %dot_general3A_12 : vector<1024x256xf32>
    %convert_element_type3A_14 = arith.truncf %mul3A_13 : vector<1024x256xf32> to vector<1024x256xbf16>
    %convert_element_type3A_15 = arith.extf %convert_element_type3A_14 : vector<1024x256xbf16> to vector<1024x256xf32>
    %sub3A = arith.subf %mul3A_13, %convert_element_type3A_15 : vector<1024x256xf32>
    %convert_element_type3A_16 = arith.truncf %sub3A : vector<1024x256xf32> to vector<1024x256xbf16>
    %convert_element_type3A_17 = arith.extf %convert_element_type3A_16 : vector<1024x256xbf16> to vector<1024x256xf32>
    %sub3A_18 = arith.subf %sub3A, %convert_element_type3A_17 : vector<1024x256xf32>
    %convert_element_type3A_19 = arith.truncf %sub3A_18 : vector<1024x256xf32> to vector<1024x256xbf16>
    %dot_general3A_20 = arith.constant dense<0.000000e+00> : vector<1024x256xf32>
    %dot_general3A_21 = tpu.matmul %convert_element_type3A, %convert_element_type3A_14, %dot_general3A_20 {dimension_numbers = #tpu.dot_dimension_numbers<[1], [0], [0], [1], [0, 0, 1, 1], [], []>, transpose_lhs_hint = false} : vector<1024x1024xbf16>, vector<1024x256xbf16>, vector<1024x256xf32> -> vector<1024x256xf32>
    %dot_general3A_22 = arith.constant dense<0.000000e+00> : vector<1024x256xf32>
    %dot_general3A_23 = tpu.matmul %convert_element_type3A, %convert_element_type3A_16, %dot_general3A_22 {dimension_numbers = #tpu.dot_dimension_numbers<[1], [0], [0], [1], [0, 0, 1, 1], [], []>, transpose_lhs_hint = false} : vector<1024x1024xbf16>, vector<1024x256xbf16>, vector<1024x256xf32> -> vector<1024x256xf32>
    %add3A = arith.addf %dot_general3A_21, %dot_general3A_23 : vector<1024x256xf32>
    %dot_general3A_24 = arith.constant dense<0.000000e+00> : vector<1024x256xf32>
    %dot_general3A_25 = tpu.matmul %convert_element_type3A, %convert_element_type3A_19, %dot_general3A_24 {dimension_numbers = #tpu.dot_dimension_numbers<[1], [0], [0], [1], [0, 0, 1, 1], [], []>, transpose_lhs_hint = false} : vector<1024x1024xbf16>, vector<1024x256xbf16>, vector<1024x256xf32> -> vector<1024x256xf32>
    %add3A_26 = arith.addf %add3A, %dot_general3A_25 : vector<1024x256xf32>
    %mul3A_27 = vector.broadcast %rsqrt3A : vector<1024x1xf32> to vector<1024x256xf32>
    %mul3A_28 = arith.mulf %mul3A_27, %add3A_26 : vector<1024x256xf32>
    %get3A_29 = arith.constant 0 : index
    %get3A_30 = vector.load %arg3[%get3A_29] : memref<256xf32, #tpu.memory_space<vmem>>, vector<256xf32>
    %broadcast_in_dim3A_31 = vector.shape_cast %get3A_30 : vector<256xf32> to vector<1x256xf32>
    %add3A_32 = vector.broadcast %broadcast_in_dim3A_31 : vector<1x256xf32> to vector<1024x256xf32>
    %add3A_33 = arith.addf %mul3A_28, %add3A_32 : vector<1024x256xf32>
    %ge3A = arith.constant 0.000000e+00 : f32
    %ge3A_34 = vector.broadcast %ge3A : f32 to vector<1024x256xf32>
    %ge3A_35 = arith.cmpf oge, %add3A_33, %ge3A_34 : vector<1024x256xf32>
    %mul3A_36 = arith.constant 0.00999999977 : f32
    %mul3A_37 = vector.broadcast %mul3A_36 : f32 to vector<1024x256xf32>
    %mul3A_38 = arith.mulf %mul3A_37, %add3A_33 : vector<1024x256xf32>
    %select_n3A = arith.select %ge3A_35, %add3A_33, %mul3A_38 : vector<1024x256xi1>, vector<1024x256xf32>
    %get3A_39 = arith.constant 0 : index
    %get3A_40 = arith.constant 0 : index
    %get3A_41 = arith.constant 0 : index
    %get3A_42 = vector.load %arg4[%get3A_39, %get3A_40, %get3A_41] : memref<3x256x256xf32, #tpu.memory_space<vmem>>, vector<1x256x256xf32>
    %get3A_43 = vector.shape_cast %get3A_42 : vector<1x256x256xf32> to vector<256x256xf32>
    %dot_general3A_44 = arith.constant dense<0.000000e+00> : vector<1024x256xf32>
    %dot_general3A_45 = tpu.matmul %select_n3A, %get3A_43, %dot_general3A_44 {dimension_numbers = #tpu.dot_dimension_numbers<[1], [0], [0], [1], [0, 0, 1, 1], [], []>, transpose_lhs_hint = false} : vector<1024x256xf32>, vector<256x256xf32>, vector<1024x256xf32> -> vector<1024x256xf32>
    %convert_element_type3A_46 = arith.truncf %dot_general3A_45 : vector<1024x256xf32> to vector<1024x256xbf16>
    %convert_element_type3A_47 = arith.extf %convert_element_type3A_46 : vector<1024x256xbf16> to vector<1024x256xf32>
    %sub3A_48 = arith.subf %dot_general3A_45, %convert_element_type3A_47 : vector<1024x256xf32>
    %convert_element_type3A_49 = arith.truncf %sub3A_48 : vector<1024x256xf32> to vector<1024x256xbf16>
    %convert_element_type3A_50 = arith.extf %convert_element_type3A_49 : vector<1024x256xbf16> to vector<1024x256xf32>
    %sub3A_51 = arith.subf %sub3A_48, %convert_element_type3A_50 : vector<1024x256xf32>
    %convert_element_type3A_52 = arith.truncf %sub3A_51 : vector<1024x256xf32> to vector<1024x256xbf16>
    %dot_general3A_53 = arith.constant dense<0.000000e+00> : vector<1024x256xf32>
    %dot_general3A_54 = tpu.matmul %convert_element_type3A, %convert_element_type3A_46, %dot_general3A_53 {dimension_numbers = #tpu.dot_dimension_numbers<[1], [0], [0], [1], [0, 0, 1, 1], [], []>, transpose_lhs_hint = false} : vector<1024x1024xbf16>, vector<1024x256xbf16>, vector<1024x256xf32> -> vector<1024x256xf32>
    %dot_general3A_55 = arith.constant dense<0.000000e+00> : vector<1024x256xf32>
    %dot_general3A_56 = tpu.matmul %convert_element_type3A, %convert_element_type3A_49, %dot_general3A_55 {dimension_numbers = #tpu.dot_dimension_numbers<[1], [0], [0], [1], [0, 0, 1, 1], [], []>, transpose_lhs_hint = false} : vector<1024x1024xbf16>, vector<1024x256xbf16>, vector<1024x256xf32> -> vector<1024x256xf32>
    %add3A_57 = arith.addf %dot_general3A_54, %dot_general3A_56 : vector<1024x256xf32>
    %dot_general3A_58 = arith.constant dense<0.000000e+00> : vector<1024x256xf32>
    %dot_general3A_59 = tpu.matmul %convert_element_type3A, %convert_element_type3A_52, %dot_general3A_58 {dimension_numbers = #tpu.dot_dimension_numbers<[1], [0], [0], [1], [0, 0, 1, 1], [], []>, transpose_lhs_hint = false} : vector<1024x1024xbf16>, vector<1024x256xbf16>, vector<1024x256xf32> -> vector<1024x256xf32>
    %add3A_60 = arith.addf %add3A_57, %dot_general3A_59 : vector<1024x256xf32>
    %get3A_61 = arith.constant 0 : index
    %get3A_62 = arith.constant 0 : index
    %get3A_63 = vector.load %arg5[%get3A_61, %get3A_62] : memref<256x768xf32, #tpu.memory_space<vmem>>, vector<256x768xf32>
    %dot_general3A_64 = arith.constant dense<0.000000e+00> : vector<1024x768xf32>
    %dot_general3A_65 = tpu.matmul %add3A_60, %get3A_63, %dot_general3A_64 {dimension_numbers = #tpu.dot_dimension_numbers<[1], [0], [0], [1], [0, 0, 1, 1], [], []>, transpose_lhs_hint = false} : vector<1024x256xf32>, vector<256x768xf32>, vector<1024x768xf32> -> vector<1024x768xf32>
    %get3A_66 = arith.constant 0 : index
    %get3A_67 = vector.load %arg7[%get3A_66] : memref<768xf32, #tpu.memory_space<vmem>>, vector<768xf32>
    %broadcast_in_dim3A_68 = vector.shape_cast %get3A_67 : vector<768xf32> to vector<1x768xf32>
    %add3A_69 = vector.broadcast %broadcast_in_dim3A_68 : vector<1x768xf32> to vector<1024x768xf32>
    %add3A_70 = arith.addf %dot_general3A_65, %add3A_69 : vector<1024x768xf32>
    %get3A_71 = arith.constant 0 : index
    %get3A_72 = arith.constant 0 : index
    %get3A_73 = vector.load %arg6[%get3A_71, %get3A_72] : memref<256x768xf32, #tpu.memory_space<vmem>>, vector<256x768xf32>
    %dot_general3A_74 = arith.constant dense<0.000000e+00> : vector<1024x768xf32>
    %dot_general3A_75 = tpu.matmul %select_n3A, %get3A_73, %dot_general3A_74 {dimension_numbers = #tpu.dot_dimension_numbers<[1], [0], [0], [1], [0, 0, 1, 1], [], []>, transpose_lhs_hint = false} : vector<1024x256xf32>, vector<256x768xf32>, vector<1024x768xf32> -> vector<1024x768xf32>
    %get3A_76 = arith.constant 0 : index
    %get3A_77 = vector.load %arg8[%get3A_76] : memref<768xf32, #tpu.memory_space<vmem>>, vector<768xf32>
    %broadcast_in_dim3A_78 = vector.shape_cast %get3A_77 : vector<768xf32> to vector<1x768xf32>
    %add3A_79 = vector.broadcast %broadcast_in_dim3A_78 : vector<1x768xf32> to vector<1024x768xf32>
    %add3A_80 = arith.addf %dot_general3A_75, %add3A_79 : vector<1024x768xf32>
    %slice3A = vector.extract_strided_slice %add3A_70 {offsets = [0, 0], sizes = [1024, 256], strides = [1, 1]} : vector<1024x768xf32> to vector<1024x256xf32>
    %slice3A_81 = vector.extract_strided_slice %add3A_80 {offsets = [0, 0], sizes = [1024, 256], strides = [1, 1]} : vector<1024x768xf32> to vector<1024x256xf32>
    %add3A_82 = arith.addf %slice3A, %slice3A_81 : vector<1024x256xf32>
    %logistic3A = arith.negf %add3A_82 : vector<1024x256xf32>
    %logistic3A_83 = math.exp %logistic3A : vector<1024x256xf32>
    %logistic3A_84 = arith.constant 1.000000e+00 : f32
    %logistic3A_85 = vector.broadcast %logistic3A_84 : f32 to vector<1024x256xf32>
    %logistic3A_86 = arith.addf %logistic3A_85, %logistic3A_83 : vector<1024x256xf32>
    %logistic3A_87 = arith.divf %logistic3A_85, %logistic3A_86 : vector<1024x256xf32>
    %slice3A_88 = vector.extract_strided_slice %add3A_70 {offsets = [0, 256], sizes = [1024, 256], strides = [1, 1]} : vector<1024x768xf32> to vector<1024x256xf32>
    %slice3A_89 = vector.extract_strided_slice %add3A_80 {offsets = [0, 256], sizes = [1024, 256], strides = [1, 1]} : vector<1024x768xf32> to vector<1024x256xf32>
    %add3A_90 = arith.addf %slice3A_88, %slice3A_89 : vector<1024x256xf32>
    %logistic3A_91 = arith.negf %add3A_90 : vector<1024x256xf32>
    %logistic3A_92 = math.exp %logistic3A_91 : vector<1024x256xf32>
    %logistic3A_93 = arith.constant 1.000000e+00 : f32
    %logistic3A_94 = vector.broadcast %logistic3A_93 : f32 to vector<1024x256xf32>
    %logistic3A_95 = arith.addf %logistic3A_94, %logistic3A_92 : vector<1024x256xf32>
    %logistic3A_96 = arith.divf %logistic3A_94, %logistic3A_95 : vector<1024x256xf32>
    %slice3A_97 = vector.extract_strided_slice %add3A_70 {offsets = [0, 512], sizes = [1024, 256], strides = [1, 1]} : vector<1024x768xf32> to vector<1024x256xf32>
    %slice3A_98 = vector.extract_strided_slice %add3A_80 {offsets = [0, 512], sizes = [1024, 256], strides = [1, 1]} : vector<1024x768xf32> to vector<1024x256xf32>
    %mul3A_99 = arith.mulf %logistic3A_87, %slice3A_98 : vector<1024x256xf32>
    %add3A_100 = arith.addf %slice3A_97, %mul3A_99 : vector<1024x256xf32>
    %tanh3A = math.tanh %add3A_100 : vector<1024x256xf32>
    %sub3A_101 = arith.constant 1.000000e+00 : f32
    %sub3A_102 = vector.broadcast %sub3A_101 : f32 to vector<1024x256xf32>
    %sub3A_103 = arith.subf %sub3A_102, %logistic3A_96 : vector<1024x256xf32>
    %mul3A_104 = arith.mulf %sub3A_103, %tanh3A : vector<1024x256xf32>
    %mul3A_105 = arith.mulf %logistic3A_96, %select_n3A : vector<1024x256xf32>
    %add3A_106 = arith.addf %mul3A_104, %mul3A_105 : vector<1024x256xf32>
    %get3A_107 = arith.constant 1 : index
    %get3A_108 = arith.constant 0 : index
    %get3A_109 = arith.constant 0 : index
    %get3A_110 = vector.load %arg4[%get3A_107, %get3A_108, %get3A_109] : memref<3x256x256xf32, #tpu.memory_space<vmem>>, vector<1x256x256xf32>
    %get3A_111 = vector.shape_cast %get3A_110 : vector<1x256x256xf32> to vector<256x256xf32>
    %dot_general3A_112 = arith.constant dense<0.000000e+00> : vector<1024x256xf32>
    %dot_general3A_113 = tpu.matmul %add3A_106, %get3A_111, %dot_general3A_112 {dimension_numbers = #tpu.dot_dimension_numbers<[1], [0], [0], [1], [0, 0, 1, 1], [], []>, transpose_lhs_hint = false} : vector<1024x256xf32>, vector<256x256xf32>, vector<1024x256xf32> -> vector<1024x256xf32>
    %convert_element_type3A_114 = arith.truncf %dot_general3A_113 : vector<1024x256xf32> to vector<1024x256xbf16>
    %convert_element_type3A_115 = arith.extf %convert_element_type3A_114 : vector<1024x256xbf16> to vector<1024x256xf32>
    %sub3A_116 = arith.subf %dot_general3A_113, %convert_element_type3A_115 : vector<1024x256xf32>
    %convert_element_type3A_117 = arith.truncf %sub3A_116 : vector<1024x256xf32> to vector<1024x256xbf16>
    %convert_element_type3A_118 = arith.extf %convert_element_type3A_117 : vector<1024x256xbf16> to vector<1024x256xf32>
    %sub3A_119 = arith.subf %sub3A_116, %convert_element_type3A_118 : vector<1024x256xf32>
    %convert_element_type3A_120 = arith.truncf %sub3A_119 : vector<1024x256xf32> to vector<1024x256xbf16>
    %dot_general3A_121 = arith.constant dense<0.000000e+00> : vector<1024x256xf32>
    %dot_general3A_122 = tpu.matmul %convert_element_type3A, %convert_element_type3A_114, %dot_general3A_121 {dimension_numbers = #tpu.dot_dimension_numbers<[1], [0], [0], [1], [0, 0, 1, 1], [], []>, transpose_lhs_hint = false} : vector<1024x1024xbf16>, vector<1024x256xbf16>, vector<1024x256xf32> -> vector<1024x256xf32>
    %dot_general3A_123 = arith.constant dense<0.000000e+00> : vector<1024x256xf32>
    %dot_general3A_124 = tpu.matmul %convert_element_type3A, %convert_element_type3A_117, %dot_general3A_123 {dimension_numbers = #tpu.dot_dimension_numbers<[1], [0], [0], [1], [0, 0, 1, 1], [], []>, transpose_lhs_hint = false} : vector<1024x1024xbf16>, vector<1024x256xbf16>, vector<1024x256xf32> -> vector<1024x256xf32>
    %add3A_125 = arith.addf %dot_general3A_122, %dot_general3A_124 : vector<1024x256xf32>
    %dot_general3A_126 = arith.constant dense<0.000000e+00> : vector<1024x256xf32>
    %dot_general3A_127 = tpu.matmul %convert_element_type3A, %convert_element_type3A_120, %dot_general3A_126 {dimension_numbers = #tpu.dot_dimension_numbers<[1], [0], [0], [1], [0, 0, 1, 1], [], []>, transpose_lhs_hint = false} : vector<1024x1024xbf16>, vector<1024x256xbf16>, vector<1024x256xf32> -> vector<1024x256xf32>
    %add3A_128 = arith.addf %add3A_125, %dot_general3A_127 : vector<1024x256xf32>
    %get3A_129 = arith.constant 0 : index
    %get3A_130 = arith.constant 0 : index
    %get3A_131 = vector.load %arg5[%get3A_129, %get3A_130] : memref<256x768xf32, #tpu.memory_space<vmem>>, vector<256x768xf32>
    %dot_general3A_132 = arith.constant dense<0.000000e+00> : vector<1024x768xf32>
    %dot_general3A_133 = tpu.matmul %add3A_128, %get3A_131, %dot_general3A_132 {dimension_numbers = #tpu.dot_dimension_numbers<[1], [0], [0], [1], [0, 0, 1, 1], [], []>, transpose_lhs_hint = false} : vector<1024x256xf32>, vector<256x768xf32>, vector<1024x768xf32> -> vector<1024x768xf32>
    %get3A_134 = arith.constant 0 : index
    %get3A_135 = vector.load %arg7[%get3A_134] : memref<768xf32, #tpu.memory_space<vmem>>, vector<768xf32>
    %broadcast_in_dim3A_136 = vector.shape_cast %get3A_135 : vector<768xf32> to vector<1x768xf32>
    %add3A_137 = vector.broadcast %broadcast_in_dim3A_136 : vector<1x768xf32> to vector<1024x768xf32>
    %add3A_138 = arith.addf %dot_general3A_133, %add3A_137 : vector<1024x768xf32>
    %get3A_139 = arith.constant 0 : index
    %get3A_140 = arith.constant 0 : index
    %get3A_141 = vector.load %arg6[%get3A_139, %get3A_140] : memref<256x768xf32, #tpu.memory_space<vmem>>, vector<256x768xf32>
    %dot_general3A_142 = arith.constant dense<0.000000e+00> : vector<1024x768xf32>
    %dot_general3A_143 = tpu.matmul %add3A_106, %get3A_141, %dot_general3A_142 {dimension_numbers = #tpu.dot_dimension_numbers<[1], [0], [0], [1], [0, 0, 1, 1], [], []>, transpose_lhs_hint = false} : vector<1024x256xf32>, vector<256x768xf32>, vector<1024x768xf32> -> vector<1024x768xf32>
    %get3A_144 = arith.constant 0 : index
    %get3A_145 = vector.load %arg8[%get3A_144] : memref<768xf32, #tpu.memory_space<vmem>>, vector<768xf32>
    %broadcast_in_dim3A_146 = vector.shape_cast %get3A_145 : vector<768xf32> to vector<1x768xf32>
    %add3A_147 = vector.broadcast %broadcast_in_dim3A_146 : vector<1x768xf32> to vector<1024x768xf32>
    %add3A_148 = arith.addf %dot_general3A_143, %add3A_147 : vector<1024x768xf32>
    %slice3A_149 = vector.extract_strided_slice %add3A_138 {offsets = [0, 0], sizes = [1024, 256], strides = [1, 1]} : vector<1024x768xf32> to vector<1024x256xf32>
    %slice3A_150 = vector.extract_strided_slice %add3A_148 {offsets = [0, 0], sizes = [1024, 256], strides = [1, 1]} : vector<1024x768xf32> to vector<1024x256xf32>
    %add3A_151 = arith.addf %slice3A_149, %slice3A_150 : vector<1024x256xf32>
    %logistic3A_152 = arith.negf %add3A_151 : vector<1024x256xf32>
    %logistic3A_153 = math.exp %logistic3A_152 : vector<1024x256xf32>
    %logistic3A_154 = arith.constant 1.000000e+00 : f32
    %logistic3A_155 = vector.broadcast %logistic3A_154 : f32 to vector<1024x256xf32>
    %logistic3A_156 = arith.addf %logistic3A_155, %logistic3A_153 : vector<1024x256xf32>
    %logistic3A_157 = arith.divf %logistic3A_155, %logistic3A_156 : vector<1024x256xf32>
    %slice3A_158 = vector.extract_strided_slice %add3A_138 {offsets = [0, 256], sizes = [1024, 256], strides = [1, 1]} : vector<1024x768xf32> to vector<1024x256xf32>
    %slice3A_159 = vector.extract_strided_slice %add3A_148 {offsets = [0, 256], sizes = [1024, 256], strides = [1, 1]} : vector<1024x768xf32> to vector<1024x256xf32>
    %add3A_160 = arith.addf %slice3A_158, %slice3A_159 : vector<1024x256xf32>
    %logistic3A_161 = arith.negf %add3A_160 : vector<1024x256xf32>
    %logistic3A_162 = math.exp %logistic3A_161 : vector<1024x256xf32>
    %logistic3A_163 = arith.constant 1.000000e+00 : f32
    %logistic3A_164 = vector.broadcast %logistic3A_163 : f32 to vector<1024x256xf32>
    %logistic3A_165 = arith.addf %logistic3A_164, %logistic3A_162 : vector<1024x256xf32>
    %logistic3A_166 = arith.divf %logistic3A_164, %logistic3A_165 : vector<1024x256xf32>
    %slice3A_167 = vector.extract_strided_slice %add3A_138 {offsets = [0, 512], sizes = [1024, 256], strides = [1, 1]} : vector<1024x768xf32> to vector<1024x256xf32>
    %slice3A_168 = vector.extract_strided_slice %add3A_148 {offsets = [0, 512], sizes = [1024, 256], strides = [1, 1]} : vector<1024x768xf32> to vector<1024x256xf32>
    %mul3A_169 = arith.mulf %logistic3A_157, %slice3A_168 : vector<1024x256xf32>
    %add3A_170 = arith.addf %slice3A_167, %mul3A_169 : vector<1024x256xf32>
    %tanh3A_171 = math.tanh %add3A_170 : vector<1024x256xf32>
    %sub3A_172 = arith.constant 1.000000e+00 : f32
    %sub3A_173 = vector.broadcast %sub3A_172 : f32 to vector<1024x256xf32>
    %sub3A_174 = arith.subf %sub3A_173, %logistic3A_166 : vector<1024x256xf32>
    %mul3A_175 = arith.mulf %sub3A_174, %tanh3A_171 : vector<1024x256xf32>
    %mul3A_176 = arith.mulf %logistic3A_166, %add3A_106 : vector<1024x256xf32>
    %add3A_177 = arith.addf %mul3A_175, %mul3A_176 : vector<1024x256xf32>
    %get3A_178 = arith.constant 2 : index
    %get3A_179 = arith.constant 0 : index
    %get3A_180 = arith.constant 0 : index
    %get3A_181 = vector.load %arg4[%get3A_178, %get3A_179, %get3A_180] : memref<3x256x256xf32, #tpu.memory_space<vmem>>, vector<1x256x256xf32>
    %get3A_182 = vector.shape_cast %get3A_181 : vector<1x256x256xf32> to vector<256x256xf32>
    %dot_general3A_183 = arith.constant dense<0.000000e+00> : vector<1024x256xf32>
    %dot_general3A_184 = tpu.matmul %add3A_177, %get3A_182, %dot_general3A_183 {dimension_numbers = #tpu.dot_dimension_numbers<[1], [0], [0], [1], [0, 0, 1, 1], [], []>, transpose_lhs_hint = false} : vector<1024x256xf32>, vector<256x256xf32>, vector<1024x256xf32> -> vector<1024x256xf32>
    %convert_element_type3A_185 = arith.truncf %dot_general3A_184 : vector<1024x256xf32> to vector<1024x256xbf16>
    %convert_element_type3A_186 = arith.extf %convert_element_type3A_185 : vector<1024x256xbf16> to vector<1024x256xf32>
    %sub3A_187 = arith.subf %dot_general3A_184, %convert_element_type3A_186 : vector<1024x256xf32>
    %convert_element_type3A_188 = arith.truncf %sub3A_187 : vector<1024x256xf32> to vector<1024x256xbf16>
    %convert_element_type3A_189 = arith.extf %convert_element_type3A_188 : vector<1024x256xbf16> to vector<1024x256xf32>
    %sub3A_190 = arith.subf %sub3A_187, %convert_element_type3A_189 : vector<1024x256xf32>
    %convert_element_type3A_191 = arith.truncf %sub3A_190 : vector<1024x256xf32> to vector<1024x256xbf16>
    %dot_general3A_192 = arith.constant dense<0.000000e+00> : vector<1024x256xf32>
    %dot_general3A_193 = tpu.matmul %convert_element_type3A, %convert_element_type3A_185, %dot_general3A_192 {dimension_numbers = #tpu.dot_dimension_numbers<[1], [0], [0], [1], [0, 0, 1, 1], [], []>, transpose_lhs_hint = false} : vector<1024x1024xbf16>, vector<1024x256xbf16>, vector<1024x256xf32> -> vector<1024x256xf32>
    %dot_general3A_194 = arith.constant dense<0.000000e+00> : vector<1024x256xf32>
    %dot_general3A_195 = tpu.matmul %convert_element_type3A, %convert_element_type3A_188, %dot_general3A_194 {dimension_numbers = #tpu.dot_dimension_numbers<[1], [0], [0], [1], [0, 0, 1, 1], [], []>, transpose_lhs_hint = false} : vector<1024x1024xbf16>, vector<1024x256xbf16>, vector<1024x256xf32> -> vector<1024x256xf32>
    %add3A_196 = arith.addf %dot_general3A_193, %dot_general3A_195 : vector<1024x256xf32>
    %dot_general3A_197 = arith.constant dense<0.000000e+00> : vector<1024x256xf32>
    %dot_general3A_198 = tpu.matmul %convert_element_type3A, %convert_element_type3A_191, %dot_general3A_197 {dimension_numbers = #tpu.dot_dimension_numbers<[1], [0], [0], [1], [0, 0, 1, 1], [], []>, transpose_lhs_hint = false} : vector<1024x1024xbf16>, vector<1024x256xbf16>, vector<1024x256xf32> -> vector<1024x256xf32>
    %add3A_199 = arith.addf %add3A_196, %dot_general3A_198 : vector<1024x256xf32>
    %get3A_200 = arith.constant 0 : index
    %get3A_201 = arith.constant 0 : index
    %get3A_202 = vector.load %arg5[%get3A_200, %get3A_201] : memref<256x768xf32, #tpu.memory_space<vmem>>, vector<256x768xf32>
    %dot_general3A_203 = arith.constant dense<0.000000e+00> : vector<1024x768xf32>
    %dot_general3A_204 = tpu.matmul %add3A_199, %get3A_202, %dot_general3A_203 {dimension_numbers = #tpu.dot_dimension_numbers<[1], [0], [0], [1], [0, 0, 1, 1], [], []>, transpose_lhs_hint = false} : vector<1024x256xf32>, vector<256x768xf32>, vector<1024x768xf32> -> vector<1024x768xf32>
    %get3A_205 = arith.constant 0 : index
    %get3A_206 = vector.load %arg7[%get3A_205] : memref<768xf32, #tpu.memory_space<vmem>>, vector<768xf32>
    %broadcast_in_dim3A_207 = vector.shape_cast %get3A_206 : vector<768xf32> to vector<1x768xf32>
    %add3A_208 = vector.broadcast %broadcast_in_dim3A_207 : vector<1x768xf32> to vector<1024x768xf32>
    %add3A_209 = arith.addf %dot_general3A_204, %add3A_208 : vector<1024x768xf32>
    %get3A_210 = arith.constant 0 : index
    %get3A_211 = arith.constant 0 : index
    %get3A_212 = vector.load %arg6[%get3A_210, %get3A_211] : memref<256x768xf32, #tpu.memory_space<vmem>>, vector<256x768xf32>
    %dot_general3A_213 = arith.constant dense<0.000000e+00> : vector<1024x768xf32>
    %dot_general3A_214 = tpu.matmul %add3A_177, %get3A_212, %dot_general3A_213 {dimension_numbers = #tpu.dot_dimension_numbers<[1], [0], [0], [1], [0, 0, 1, 1], [], []>, transpose_lhs_hint = false} : vector<1024x256xf32>, vector<256x768xf32>, vector<1024x768xf32> -> vector<1024x768xf32>
    %get3A_215 = arith.constant 0 : index
    %get3A_216 = vector.load %arg8[%get3A_215] : memref<768xf32, #tpu.memory_space<vmem>>, vector<768xf32>
    %broadcast_in_dim3A_217 = vector.shape_cast %get3A_216 : vector<768xf32> to vector<1x768xf32>
    %add3A_218 = vector.broadcast %broadcast_in_dim3A_217 : vector<1x768xf32> to vector<1024x768xf32>
    %add3A_219 = arith.addf %dot_general3A_214, %add3A_218 : vector<1024x768xf32>
    %slice3A_220 = vector.extract_strided_slice %add3A_209 {offsets = [0, 0], sizes = [1024, 256], strides = [1, 1]} : vector<1024x768xf32> to vector<1024x256xf32>
    %slice3A_221 = vector.extract_strided_slice %add3A_219 {offsets = [0, 0], sizes = [1024, 256], strides = [1, 1]} : vector<1024x768xf32> to vector<1024x256xf32>
    %add3A_222 = arith.addf %slice3A_220, %slice3A_221 : vector<1024x256xf32>
    %logistic3A_223 = arith.negf %add3A_222 : vector<1024x256xf32>
    %logistic3A_224 = math.exp %logistic3A_223 : vector<1024x256xf32>
    %logistic3A_225 = arith.constant 1.000000e+00 : f32
    %logistic3A_226 = vector.broadcast %logistic3A_225 : f32 to vector<1024x256xf32>
    %logistic3A_227 = arith.addf %logistic3A_226, %logistic3A_224 : vector<1024x256xf32>
    %logistic3A_228 = arith.divf %logistic3A_226, %logistic3A_227 : vector<1024x256xf32>
    %slice3A_229 = vector.extract_strided_slice %add3A_209 {offsets = [0, 256], sizes = [1024, 256], strides = [1, 1]} : vector<1024x768xf32> to vector<1024x256xf32>
    %slice3A_230 = vector.extract_strided_slice %add3A_219 {offsets = [0, 256], sizes = [1024, 256], strides = [1, 1]} : vector<1024x768xf32> to vector<1024x256xf32>
    %add3A_231 = arith.addf %slice3A_229, %slice3A_230 : vector<1024x256xf32>
    %logistic3A_232 = arith.negf %add3A_231 : vector<1024x256xf32>
    %logistic3A_233 = math.exp %logistic3A_232 : vector<1024x256xf32>
    %logistic3A_234 = arith.constant 1.000000e+00 : f32
    %logistic3A_235 = vector.broadcast %logistic3A_234 : f32 to vector<1024x256xf32>
    %logistic3A_236 = arith.addf %logistic3A_235, %logistic3A_233 : vector<1024x256xf32>
    %logistic3A_237 = arith.divf %logistic3A_235, %logistic3A_236 : vector<1024x256xf32>
    %slice3A_238 = vector.extract_strided_slice %add3A_209 {offsets = [0, 512], sizes = [1024, 256], strides = [1, 1]} : vector<1024x768xf32> to vector<1024x256xf32>
    %slice3A_239 = vector.extract_strided_slice %add3A_219 {offsets = [0, 512], sizes = [1024, 256], strides = [1, 1]} : vector<1024x768xf32> to vector<1024x256xf32>
    %mul3A_240 = arith.mulf %logistic3A_228, %slice3A_239 : vector<1024x256xf32>
    %add3A_241 = arith.addf %slice3A_238, %mul3A_240 : vector<1024x256xf32>
    %tanh3A_242 = math.tanh %add3A_241 : vector<1024x256xf32>
    %sub3A_243 = arith.constant 1.000000e+00 : f32
    %sub3A_244 = vector.broadcast %sub3A_243 : f32 to vector<1024x256xf32>
    %sub3A_245 = arith.subf %sub3A_244, %logistic3A_237 : vector<1024x256xf32>
    %mul3A_246 = arith.mulf %sub3A_245, %tanh3A_242 : vector<1024x256xf32>
    %mul3A_247 = arith.mulf %logistic3A_237, %add3A_177 : vector<1024x256xf32>
    %add3A_248 = arith.addf %mul3A_246, %mul3A_247 : vector<1024x256xf32>
    %ge3A_249 = arith.constant 0.000000e+00 : f32
    %ge3A_250 = vector.broadcast %ge3A_249 : f32 to vector<1024x256xf32>
    %ge3A_251 = arith.cmpf oge, %add3A_248, %ge3A_250 : vector<1024x256xf32>
    %mul3A_252 = arith.constant 0.00999999977 : f32
    %mul3A_253 = vector.broadcast %mul3A_252 : f32 to vector<1024x256xf32>
    %mul3A_254 = arith.mulf %mul3A_253, %add3A_248 : vector<1024x256xf32>
    %select_n3A_255 = arith.select %ge3A_251, %add3A_248, %mul3A_254 : vector<1024x256xi1>, vector<1024x256xf32>
    %add3A_256 = arith.addf %select_n3A_255, %select_n3A : vector<1024x256xf32>
    %get3A_257 = arith.constant 0 : index
    %get3A_258 = arith.constant 0 : index
    %get3A_259 = vector.load %arg9[%get3A_257, %get3A_258] : memref<256x256xf32, #tpu.memory_space<vmem>>, vector<256x256xf32>
    %dot_general3A_260 = arith.constant dense<0.000000e+00> : vector<1024x256xf32>
    %dot_general3A_261 = tpu.matmul %add3A_256, %get3A_259, %dot_general3A_260 {dimension_numbers = #tpu.dot_dimension_numbers<[1], [0], [0], [1], [0, 0, 1, 1], [], []>, transpose_lhs_hint = false} : vector<1024x256xf32>, vector<256x256xf32>, vector<1024x256xf32> -> vector<1024x256xf32>
    %get3A_262 = arith.constant 0 : index
    %get3A_263 = vector.load %arg10[%get3A_262] : memref<256xf32, #tpu.memory_space<vmem>>, vector<256xf32>
    %broadcast_in_dim3A_264 = vector.shape_cast %get3A_263 : vector<256xf32> to vector<1x256xf32>
    %add3A_265 = vector.broadcast %broadcast_in_dim3A_264 : vector<1x256xf32> to vector<1024x256xf32>
    %add3A_266 = arith.addf %dot_general3A_261, %add3A_265 : vector<1024x256xf32>
    %ge3A_267 = arith.constant 0.000000e+00 : f32
    %ge3A_268 = vector.broadcast %ge3A_267 : f32 to vector<1024x256xf32>
    %ge3A_269 = arith.cmpf oge, %add3A_266, %ge3A_268 : vector<1024x256xf32>
    %mul3A_270 = arith.constant 0.00999999977 : f32
    %mul3A_271 = vector.broadcast %mul3A_270 : f32 to vector<1024x256xf32>
    %mul3A_272 = arith.mulf %mul3A_271, %add3A_266 : vector<1024x256xf32>
    %select_n3A_273 = arith.select %ge3A_269, %add3A_266, %mul3A_272 : vector<1024x256xi1>, vector<1024x256xf32>
    %get3A_274 = arith.constant 0 : index
    %get3A_275 = arith.constant 0 : index
    %get3A_276 = vector.load %arg11[%get3A_274, %get3A_275] : memref<256x1xf32, #tpu.memory_space<vmem>>, vector<256x1xf32>
    %dot_general3A_277 = arith.constant dense<0.000000e+00> : vector<1024x1xf32>
    %dot_general3A_278 = tpu.matmul %select_n3A_273, %get3A_276, %dot_general3A_277 {dimension_numbers = #tpu.dot_dimension_numbers<[1], [0], [0], [1], [0, 0, 1, 1], [], []>, transpose_lhs_hint = false} : vector<1024x256xf32>, vector<256x1xf32>, vector<1024x1xf32> -> vector<1024x1xf32>
    %get3A_279 = arith.constant 0 : index
    %get3A_280 = vector.load %arg12[%get3A_279] : memref<1xf32, #tpu.memory_space<vmem>>, vector<1xf32>
    %broadcast_in_dim3A_281 = vector.shape_cast %get3A_280 : vector<1xf32> to vector<1x1xf32>
    %add3A_282 = vector.broadcast %broadcast_in_dim3A_281 : vector<1x1xf32> to vector<1024x1xf32>
    %add3A_283 = arith.addf %dot_general3A_278, %add3A_282 : vector<1024x1xf32>
    %ge3A_284 = arith.constant 0.000000e+00 : f32
    %ge3A_285 = vector.broadcast %ge3A_284 : f32 to vector<1024x1xf32>
    %ge3A_286 = arith.cmpf oge, %add3A_283, %ge3A_285 : vector<1024x1xf32>
    %mul3A_287 = arith.constant 0.00999999977 : f32
    %mul3A_288 = vector.broadcast %mul3A_287 : f32 to vector<1024x1xf32>
    %mul3A_289 = arith.mulf %mul3A_288, %add3A_283 : vector<1024x1xf32>
    %select_n3A_290 = arith.select %ge3A_286, %add3A_283, %mul3A_289 : vector<1024x1xi1>, vector<1024x1xf32>
    %logistic3A_291 = arith.negf %select_n3A_290 : vector<1024x1xf32>
    %logistic3A_292 = math.exp %logistic3A_291 : vector<1024x1xf32>
    %logistic3A_293 = arith.constant 1.000000e+00 : f32
    %logistic3A_294 = vector.broadcast %logistic3A_293 : f32 to vector<1024x1xf32>
    %logistic3A_295 = arith.addf %logistic3A_294, %logistic3A_292 : vector<1024x1xf32>
    %logistic3A_296 = arith.divf %logistic3A_294, %logistic3A_295 : vector<1024x1xf32>
    %eq3A = vector.broadcast %iota3A : vector<1024x1xi32> to vector<1024x1024xi32>
    %eq3A_297 = vector.broadcast %iota3A_0 : vector<1x1024xi32> to vector<1024x1024xi32>
    %eq3A_298 = arith.cmpi eq, %eq3A, %eq3A_297 : vector<1024x1024xi32>
    %convert_element_type3A_299 = arith.extui %eq3A_298 : vector<1024x1024xi1> to vector<1024x1024xi32>
    %convert_element_type3A_300 = arith.sitofp %convert_element_type3A_299 : vector<1024x1024xi32> to vector<1024x1024xf32>
    %dot_general3A_301 = arith.constant dense<0.000000e+00> : vector<1x1024xf32>
    %dot_general3A_302 = tpu.matmul %logistic3A_296, %convert_element_type3A_300, %dot_general3A_301 {dimension_numbers = #tpu.dot_dimension_numbers<[0], [0], [1], [1], [0, 1, 1, 1], [], []>, precision = #tpu.contract_precision<fp32>, transpose_lhs_hint = false} : vector<1024x1xf32>, vector<1024x1024xf32>, vector<1x1024xf32> -> vector<1x1024xf32>
    %gt3A = vector.broadcast %logistic3A_296 : vector<1024x1xf32> to vector<1024x1024xf32>
    %gt3A_303 = vector.broadcast %dot_general3A_302 : vector<1x1024xf32> to vector<1024x1024xf32>
    %gt3A_304 = arith.cmpf ogt, %gt3A, %gt3A_303 : vector<1024x1024xf32>
    %convert_element_type3A_305 = arith.extui %gt3A_304 : vector<1024x1024xi1> to vector<1024x1024xi32>
    %convert_element_type3A_306 = arith.sitofp %convert_element_type3A_305 : vector<1024x1024xi32> to vector<1024x1024xf32>
    %eq3A_307 = vector.broadcast %logistic3A_296 : vector<1024x1xf32> to vector<1024x1024xf32>
    %eq3A_308 = vector.broadcast %dot_general3A_302 : vector<1x1024xf32> to vector<1024x1024xf32>
    %eq3A_309 = arith.cmpf oeq, %eq3A_307, %eq3A_308 : vector<1024x1024xf32>
    %lt3A = vector.broadcast %iota3A : vector<1024x1xi32> to vector<1024x1024xi32>
    %lt3A_310 = vector.broadcast %iota3A_0 : vector<1x1024xi32> to vector<1024x1024xi32>
    %lt3A_311 = arith.cmpi slt, %lt3A, %lt3A_310 : vector<1024x1024xi32>
    %and3A = arith.andi %eq3A_309, %lt3A_311 : vector<1024x1024xi1>
    %convert_element_type3A_312 = arith.extui %and3A : vector<1024x1024xi1> to vector<1024x1024xi32>
    %convert_element_type3A_313 = arith.sitofp %convert_element_type3A_312 : vector<1024x1024xi32> to vector<1024x1024xf32>
    %add3A_314 = arith.addf %convert_element_type3A_306, %convert_element_type3A_313 : vector<1024x1024xf32>
    %reduce_sum3A_315 = arith.constant dense<0.000000e+00> : vector<1024xf32>
    %reduce_sum3A_316 = vector.multi_reduction <add>, %add3A_314, %reduce_sum3A_315 [0] : vector<1024x1024xf32> to vector<1024xf32>
    %broadcast_in_dim3A_317 = vector.shape_cast %reduce_sum3A_316 : vector<1024xf32> to vector<1x1024xf32>
    %convert_element_type3A_318 = arith.sitofp %iota3A : vector<1024x1xi32> to vector<1024x1xf32>
    %le3A = vector.broadcast %broadcast_in_dim3A_317 : vector<1x1024xf32> to vector<1024x1024xf32>
    %le3A_319 = vector.broadcast %convert_element_type3A_318 : vector<1024x1xf32> to vector<1024x1024xf32>
    %le3A_320 = arith.cmpf ole, %le3A, %le3A_319 : vector<1024x1024xf32>
    %convert_element_type3A_321 = arith.extui %le3A_320 : vector<1024x1024xi1> to vector<1024x1024xi32>
    %convert_element_type3A_322 = arith.sitofp %convert_element_type3A_321 : vector<1024x1024xi32> to vector<1024x1024xf32>
    %broadcast_in_dim3A_323 = arith.constant 1.000000e+00 : f32
    %broadcast_in_dim3A_324 = vector.broadcast %broadcast_in_dim3A_323 : f32 to vector<1024x1xf32>
    %dot_general3A_325 = arith.constant dense<0.000000e+00> : vector<1024x1xf32>
    %dot_general3A_326 = tpu.matmul %get3A_2, %broadcast_in_dim3A_324, %dot_general3A_325 {dimension_numbers = #tpu.dot_dimension_numbers<[0], [0], [1], [1], [0, 1, 1, 1], [], []>, transpose_lhs_hint = false} : vector<1024x1024xf32>, vector<1024x1xf32>, vector<1024x1xf32> -> vector<1024x1xf32>
    %add3A_327 = arith.addf %broadcast_in_dim3A, %dot_general3A_326 : vector<1024x1xf32>
    %dot_general3A_328 = arith.constant dense<0.000000e+00> : vector<1024x1xf32>
    %dot_general3A_329 = tpu.matmul %convert_element_type3A_322, %add3A_327, %dot_general3A_328 {dimension_numbers = #tpu.dot_dimension_numbers<[1], [0], [0], [1], [0, 0, 1, 1], [], []>, transpose_lhs_hint = false} : vector<1024x1024xf32>, vector<1024x1xf32>, vector<1024x1xf32> -> vector<1024x1xf32>
    %dot_general3A_330 = arith.constant dense<0.000000e+00> : vector<1024x1024xf32>
    %dot_general3A_331 = tpu.matmul %convert_element_type3A_322, %get3A_2, %dot_general3A_330 {dimension_numbers = #tpu.dot_dimension_numbers<[1], [0], [0], [1], [0, 0, 1, 1], [], []>, transpose_lhs_hint = false} : vector<1024x1024xf32>, vector<1024x1024xf32>, vector<1024x1024xf32> -> vector<1024x1024xf32>
    %mul3A_332 = arith.mulf %dot_general3A_331, %convert_element_type3A_322 : vector<1024x1024xf32>
    %reduce_sum3A_333 = arith.constant dense<0.000000e+00> : vector<1024xf32>
    %reduce_sum3A_334 = vector.multi_reduction <add>, %mul3A_332, %reduce_sum3A_333 [1] : vector<1024x1024xf32> to vector<1024xf32>
    %broadcast_in_dim3A_335 = vector.shape_cast %reduce_sum3A_334 : vector<1024xf32> to vector<1024x1xf32>
    %mul3A_336 = arith.constant 2.000000e+00 : f32
    %mul3A_337 = vector.broadcast %mul3A_336 : f32 to vector<1024x1xf32>
    %mul3A_338 = arith.mulf %mul3A_337, %broadcast_in_dim3A_335 : vector<1024x1xf32>
    %sub3A_339 = arith.subf %dot_general3A_329, %mul3A_338 : vector<1024x1xf32>
    %neg3A = arith.constant 0.000000e+00 : f32
    %neg3A_340 = vector.broadcast %neg3A : f32 to vector<1024x1xf32>
    %neg3A_341 = arith.subf %neg3A_340, %sub3A_339 : vector<1024x1xf32>
    %add3A_342 = arith.constant 1.000000e+00 : f32
    %add3A_343 = vector.broadcast %add3A_342 : f32 to vector<1024x1xf32>
    %add3A_344 = arith.addf %convert_element_type3A_318, %add3A_343 : vector<1024x1xf32>
    %mul3A_345 = arith.constant 1.000000e-01 : f32
    %mul3A_346 = vector.broadcast %mul3A_345 : f32 to vector<1024x1xf32>
    %mul3A_347 = arith.mulf %mul3A_346, %add3A_344 : vector<1024x1xf32>
    %add3A_348 = arith.addf %neg3A_341, %mul3A_347 : vector<1024x1xf32>
    %swap3A = arith.constant 0 : index
    %swap3A_349 = arith.constant 0 : index
    %swap3A_350 = vector.load %arg13[%swap3A, %swap3A_349] : memref<1024x1xf32, #tpu.memory_space<vmem>>, vector<1024x1xf32>
    tpu.vector_store %arg13[%swap3A, %swap3A_349], %logistic3A_296 {strides = array<i32>} : memref<1024x1xf32, #tpu.memory_space<vmem>>, vector<1024x1xf32>,
    %reduce_min3A = arith.constant dense<0x7F800000> : vector<1xf32>
    %reduce_min3A_351 = vector.multi_reduction <minimumf>, %neg3A_341, %reduce_min3A [0] : vector<1024x1xf32> to vector<1xf32>
    %broadcast_in_dim3A_352 = vector.shape_cast %reduce_min3A_351 : vector<1xf32> to vector<1x1xf32>
    %swap3A_353 = arith.constant 0 : index
    %swap3A_354 = arith.constant 0 : index
    %swap3A_355 = vector.load %arg14[%swap3A_353, %swap3A_354] : memref<1x1xf32, #tpu.memory_space<vmem>>, vector<1x1xf32>
    tpu.vector_store %arg14[%swap3A_353, %swap3A_354], %broadcast_in_dim3A_352 {strides = array<i32>} : memref<1x1xf32, #tpu.memory_space<vmem>>, vector<1x1xf32>,
    %reduce_sum3A_356 = arith.constant dense<0.000000e+00> : vector<1xf32>
    %reduce_sum3A_357 = vector.multi_reduction <add>, %add3A_348, %reduce_sum3A_356 [0] : vector<1024x1xf32> to vector<1xf32>
    %broadcast_in_dim3A_358 = vector.shape_cast %reduce_sum3A_357 : vector<1xf32> to vector<1x1xf32>
    %div3A = arith.constant 1.024000e+03 : f32
    %div3A_359 = vector.broadcast %div3A : f32 to vector<1x1xf32>
    %div3A_360 = arith.divf %broadcast_in_dim3A_358, %div3A_359 : vector<1x1xf32>
    %swap3A_361 = arith.constant 0 : index
    %swap3A_362 = arith.constant 0 : index
    %swap3A_363 = vector.load %arg15[%swap3A_361, %swap3A_362] : memref<1x1xf32, #tpu.memory_space<vmem>>, vector<1x1xf32>
    tpu.vector_store %arg15[%swap3A_361, %swap3A_362], %div3A_360 {strides = array<i32>} : memref<1x1xf32, #tpu.memory_space<vmem>>, vector<1x1xf32>,
    return
  }
}

</mosaic_0001>

<sc_bundles>
// kernel: kernel.4.cloned.1.call-start
scs
__scs_entry_jumppad:
0x0: {  	(pc) =	sbr.rel $0x88, $3  }
0x1: {  	(tag) =	ssettag $0x0;
	lr =	simm.s32 $0x1  }
0x2: {  	[smem:$0x3F94] =	sst lr;
	_ =	strace $0xD0000000  }
0x3: {  	_ = 	snop  }
0x4: {  	_ = 	snop  }
0x5: {  	_ = 	snop  }
0x6: {  	_ = 	snop  }
0x7: {  	_ = 	snop  }
__scs_overlays_trampoline_lowered:
0x8: {  	[smem:$0x3FA3] =	sst s0  }
0x9: {  	[smem:$0x3FA4] =	sst s1  }
0xa: {  	[smem:$0x3FA5] =	sst s2  }
0xb: {  	[smem:$0x3FA6] =	sst s3  }
0xc: {  	[smem:$0x3FA7] =	sst s4  }
0xd: {  	[smem:$0x3FA8] =	sst s5  }
0xe: {  	[smem:$0x3FA9] =	sst s6  }
0xf: {  	[smem:$0x3FAA] =	sst s7  }
0x10: {  	[smem:$0x3FAB] =	sst s8  }
0x11: {  	[smem:$0x3FAC] =	sst s9;
	s0 =	simm.s32 @!p0 $0x0  }
0x12: {  	s1 =	sld [smem:$0x3F92];
	s0 =	simm.s32 @p0 $0x1  }
0x13: {  	[smem:$0x3FAD] =	sst s0;
	s0 =	simm.s32 @!p1 $0x0  }
0x14: {  	s2 =	sld [smem:$0x3F91];
	s0 =	simm.s32 @p1 $0x1  }
0x15: {  	[smem:$0x3FAE] =	sst s0;
	s0 =	simm.s32 @!p2 $0x0  }
0x16: {  	s3 =	sld [smem:$0x3FDB];
	s0 =	simm.s32 @p2 $0x1  }
0x17: {  	s4 =	simm.s32 $0x1BF5;
	[smem:$0x3FB0] =	sst s0  }
0x18: {  	s0 =	sld [smem:$0x3F93];
	_ =	swait.ge [sflag:s4], $0x0  }
0x19: {  	s7 =	sld [smem:$0x3F94]  }
0x1a: {  	s8 =	sadd.s32 $0xFFFFE003, lr  }
0x1b: {  	s9 =	sadd.s32 $0xFFFFFEF7, lr;
	s5 =	simm.s32 $0xFFFFFFFF;
	p2 =	slt.u32 s8, $0xFFFFF086  }
0x1c: {  	p1 =	slt.u32 s9, $0xF7A;
	s5 =	simm.s32 @!p2 $0x0  }
0x1d: {  	s5 =	simm.s32 @p1 $0x1;
	p0 =	seq.s32 s7, s2  }
0x1e: {  	s7 =	smul.u32 @!p0 $0xF7A, s2;
	p2 =	seq.s32 @!p0 s5, $0x0  }
0x1f: {  	s9 =	smul.u32 $0xF7A, s1;
	s8 =	simm.s32 @!p0 $0x1BF5;
	p2 =	por !p2, p0  }
0x20: {  	[sflag:s8] =	ssyncset.s32 @!p0 $0xFFFFF086;
	s6 =	sadd.s32 @!p0 s3, s7;
	s7 =	simm.s32 @!p0 $0x108  }
0x21: {  	s3 =	sadd.s32 s3, s9;
	s6 =	sadd.s32 @!p0 $0x88, s6;
	s7 =	simm.s32 @p2 $0x1082  }
0x22: {  	[simem:s7], [sflag:s8] =	dma.local @!p0 [hbm:s6], $0xF7A  }
0x23: {  	s9 =	sor.u32 $0xD0000000, s2;
	s6 =	simm.s32 $0x108;
	_ =	swait.ge @!p0 [sflag:s8], $0x0  }
0x24: {  	s3 =	sadd.s32 $0x88, s3;
	s6 =	simm.s32 @!p1 $0x1082;
	[sflag:s4] =	ssyncset.s32 $0xFFFFF086  }
0x25: {  	[simem:s6], [sflag:s4] =	dma.local [hbm:s3], $0xF7A  }
0x26: {  	[smem:$0x3F94] =	sst s1;
	(tag) =	ssettag s2;
	_ =	strace s9  }
0x27: {  	s1 =	sld [smem:$0x3FA4]  }
0x28: {  	s2 =	sld [smem:$0x3FA5]  }
0x29: {  	s4 =	sld [smem:$0x3FA7]  }
0x2a: {  	p0 =	seq.s32 s5, $0x0;
	s5 =	sld [smem:$0x3FA8]  }
0x2b: {  	s6 =	sld [smem:$0x3FA9]  }
0x2c: {  	s7 =	sld [smem:$0x3FAA]  }
0x2d: {  	s3 =	simm.s32 $0x108;
	s8 =	sld [smem:$0x3FAB]  }
0x2e: {  	s3 =	simm.s32 @!p0 $0x1082;
	s9 =	sld [smem:$0x3FAC]  }
0x2f: {  	lr =	sadd.s32 s0, s3;
	s0 =	sld [smem:$0x3FA3]  }
0x30: {  	s3 =	sld [smem:$0x3FA6]  }
0x31: {  	[smem:$0x3FAF] =	sst s10  }
0x32: {  	s10 =	sld [smem:$0x3FAD];
	_ =	sdelay $0x3  }
0x33: {  	p0 =	seq.s32 s10, $0x1;
	s10 =	sld [smem:$0x3FAF];
	_ =	sdelay $0x3  }
0x34: {  	[smem:$0x3FAF] =	sst s10  }
0x35: {  	s10 =	sld [smem:$0x3FAE];
	_ =	sdelay $0x3  }
0x36: {  	p1 =	seq.s32 s10, $0x1;
	s10 =	sld [smem:$0x3FAF];
	_ =	sdelay $0x3  }
0x37: {  	[smem:$0x3FAF] =	sst s10  }
0x38: {  	s10 =	sld [smem:$0x3FB0]  }
0x39: {  	_ = 	snop;
	(pc) =	sbr.ind lr, $3  }
0x3a: {  	_ = 	snop  }
0x3b: {  	_ = 	snop  }
0x3c: {  	p2 =	seq.s32 s10, $0x1;
	s10 =	sld [smem:$0x3FAF]  }
0x3d: {  	_ =	shalt  }
0x3e: {  	_ =	shalt  }
0x3f: {  	_ =	shalt  }
0x40: {  	_ =	shalt  }
0x41: {  	_ =	shalt  }
0x42: {  	_ =	shalt  }
0x43: {  	_ =	shalt  }
0x44: {  	_ =	shalt  }
0x45: {  	_ =	shalt  }
0x46: {  	_ =	shalt  }
0x47: {  	_ =	shalt  }
0x48: {  	_ =	shalt  }
0x49: {  	_ =	shalt  }
0x4a: {  	_ =	shalt  }
0x4b: {  	_ =	shalt  }
0x4c: {  	_ =	shalt  }
0x4d: {  	_ =	shalt  }
0x4e: {  	_ =	shalt  }
0x4f: {  	_ =	shalt  }
0x50: {  	_ =	shalt  }
0x51: {  	_ =	shalt  }
0x52: {  	_ =	shalt  }
0x53: {  	_ =	shalt  }
0x54: {  	_ =	shalt  }
0x55: {  	_ =	shalt  }
0x56: {  	_ =	shalt  }
0x57: {  	_ =	shalt  }
0x58: {  	_ =	shalt  }
0x59: {  	_ =	shalt  }
0x5a: {  	_ =	shalt  }
0x5b: {  	_ =	shalt  }
0x5c: {  	_ =	shalt  }
0x5d: {  	_ =	shalt  }
0x5e: {  	_ =	shalt  }
0x5f: {  	_ =	shalt  }
0x60: {  	_ =	shalt  }
0x61: {  	_ =	shalt  }
0x62: {  	_ =	shalt  }
0x63: {  	_ =	shalt  }
0x64: {  	_ =	shalt  }
0x65: {  	_ =	shalt  }
0x66: {  	_ =	shalt  }
0x67: {  	_ =	shalt  }
0x68: {  	_ =	shalt  }
0x69: {  	_ =	shalt  }
0x6a: {  	_ =	shalt  }
0x6b: {  	_ =	shalt  }
0x6c: {  	_ =	shalt  }
0x6d: {  	_ =	shalt  }
0x6e: {  	_ =	shalt  }
0x6f: {  	_ =	shalt  }
0x70: {  	_ =	shalt  }
0x71: {  	_ =	shalt  }
0x72: {  	_ =	shalt  }
0x73: {  	_ =	shalt  }
0x74: {  	_ =	shalt  }
0x75: {  	_ =	shalt  }
0x76: {  	_ =	shalt  }
0x77: {  	_ =	shalt  }
0x78: {  	_ =	shalt  }
0x79: {  	_ =	shalt  }
0x7a: {  	_ =	shalt  }
0x7b: {  	_ =	shalt  }
0x7c: {  	_ =	shalt  }
0x7d: {  	_ =	shalt  }
0x7e: {  	_ =	shalt  }
0x7f: {  	_ =	shalt  }
0x80: {  	_ =	shalt  }
0x81: {  	_ =	shalt  }
0x82: {  	_ =	shalt  }
0x83: {  	_ =	shalt  }
0x84: {  	_ =	shalt  }
0x85: {  	_ =	shalt  }
0x86: {  	_ =	shalt  }
0x87: {  	_ =	shalt  }
.Lfunc_end0:
.L_simem_size_0:
called_computation_lowered:
.L_overlay_start_0:
0x88: {  	s2 =	sld [smem:$0x3FD9]  }
0x89: {  	s3 =	sld [smem:$0x3FFE];
	_ =	sdelay $0x1  }
0x8a: {  	s1 =	srdreg.scid  }
0x8b: {  	s0 =	sand.u32 $0x1, s1  }
0x8c: {  	s16 =	sshll.u32 s0, $0xA;
	s2 =	sadd.s32 s3, s2  }
0x8d: {  	s2 =	sadd.s32 s2, s16  }
0x8e: {  	[smem:$0x3FBB] =	sst s2  }
0x8f: {  	_ = 	snop  }
0x90: {  	(tm) =	ssettm $0x1  }
0x91: {  	s17 =	sld [smem:$0x3FFB];
	_ =	sdelay $0x3  }
0x92: {  	_ =	strace s17  }
0x93: {  	s2 =	sld [smem:$0x3FFC];
	_ =	sdelay $0x3  }
0x94: {  	_ =	strace s2  }
0x95: {  	s2 =	sld [smem:$0x3FFD];
	_ =	sdelay $0x3  }
0x96: {  	_ =	strace s2  }
0x97: {  	_ =	strace $0x8FFFFFFF  }
0x98: {  	s18 =	sld [smem:$0x3FDB];
	_ =	sdelay $0x1  }
0x99: {  	s19 =	simm.s32 $_scs_section_size  }
0x9a: {  	s4 =	simm.s32 $_size__tile_overlayer_lowered;
	s5 =	simm.s32 $_tile_overlayer_lowered  }
0x9b: {  	s22 =	simm.s32 $0x1BFF;
	s21 =	sshll.u32 s5, $0x1;
	s2 =	sadd.s32 s19, s18  }
0x9c: {  	s6 =	simm.s32 $0x0;
	s20 =	sshll.u32 s4, $0x1;
	s4 =	sadd.s32 s21, s2  }
0x9d: {  	[timem:s6], [sflag:s22] =	dma.local [hbm:s4], s20  }
0x9e: {  	_ =	swait.ge [sflag:s22], s20  }
0x9f: {  	s3 =	ssub.s32 $0x0, s20;
	[sflag:s22] =	ssyncset.done $0x0  }
0xa0: {  	[sflag:s22] =	ssyncadd.s32 s3;
	_ =	sdelay $0x1  }
0xa1: {  	s23 =	simm.s32 $0x1B8B  }
0xa2: {  	_ =	swait.ge [sflag:s23], $0x1  }
0xa3: {  	[sflag:s23] =	ssyncset.done $0x0  }
0xa4: {  	s25 =	simm.s32 $0x1B8E;
	s24 =	sld [smem:$0x3FFE];
	[sflag:s23] =	ssyncadd.s32 $0xFFFFFFFF  }
0xa5: {  	s26 =	simm.s32 $execute0_lowered;
	[smem:$0x3FD2] =	sst s25  }
0xa6: {  	s4 =	sshll.u32 s26, $0x1;
	_ =	strace $0x80000046;
	[dreg:$0x1] =	wrdreg $0xFFFFFFFF  }
0xa7: {  	s28 =	simm.s32 $_size_execute0_lowered;
	s2 =	sadd.s32 s2, s4;
	[dreg:$0x0] =	wrdreg $0x0  }
0xa8: {  	s4 =	sshll.u32 s28, $0x1;
	[dreg:$0x2] =	wrdreg s2  }
0xa9: {  	[dreg:$0x3] =	wrdreg s4  }
0xaa: {  	[dreg:$0x4] =	wrdreg $0xC0  }
0xab: {  	_ =	task [dreg:s6], $0x5FFFF  }
0xac: {  	[dreg:$0x1] =	wrdreg $0xFFFFFFFF  }
0xad: {  	[dreg:$0x0] =	wrdreg $0x60  }
0xae: {  	[dreg:$0x2] =	wrdreg s24  }
0xaf: {  	[dreg:$0x3] =	wrdreg $0x9  }
0xb0: {  	_ =	task.clear_ibuf [dreg:s6], $0x4FFFF;
	_ =	strace $0x90000046  }
0xb1: {  	s29 =	simm.s32 $0x9;
	_ =	strace $0x80000048  }
0xb2: {  	_ =	swait.ge [sflag:s29], $0x1  }
0xb3: {  	[sflag:s29] =	ssyncadd.s32 $0xFFFFFFFF  }
0xb4: {  	_ =	strace $0x90000048  }
0xb5: {  	_ =	sfence  }
0xb6: {  	s30 =	sld [smem:$0x0];
	_ =	sdelay $0x2  }
0xb7: {  	s31 =	sshll.u32 s1, $0xD;
	s1 =	sshrl.u32 s1, $0x2  }
0xb8: {  	s3 =	sand.u32 $0x4000, s31;
	s1 =	sadd.s32 s1, s30  }
0xb9: {  	s0 =	sor.u32 s3, s0;
	s1 =	sshll.u32 s1, $0x11  }
0xba: {  	s0 =	sor.u32 s1, s0  }
0xbb: {  	s0 =	sadd.s32 $0x8F2B, s0  }
0xbc: {  	[sflag:s0] =	ssyncadd.remote.s32 $0x1  }
0xbd: {  	_ =	sfence.sel $0xFFFF  }
0xbe: {  	[dreg:$0x0] =	wrdreg $0xFFFFFFFF;
	(pc) =	sbr.abs _section_cstart, $3  }
0xbf: {  	[dreg:$0x1] =	wrdreg $0xFFFFFFFF  }
0xc0: {  	_ =	task.clear_ibuf [dreg:s6], $0x2FFFF;
	_ =	strace $0x9FFFFFFF  }
0xc1: {  	(tm) =	ssettm $0x7FFFFFFF  }
tec
execute0_lowered:
.L_overlay_start_1:
0x0: {  	(tag) =	ssettag $0x1  }
0x1: {  	s5 =	rddreg [dreg:$0x0]  }
0x2: {  	s0 =	rddreg [dreg:$0x1];
	s3 =	srdreg.scid  }
0x3: {  	s2 =	simm.s32 $0x0;
	s1 =	stileid.u32;
	s10 =	simm.s32 $0x0  }
0x4: {  	s3 =	sand.u32 $0x1, s3;
	[smem:$0x7FF] =	sst s2;
	s4 =	sshll.u32 s1, $0x6  }
0x5: {  	s6 =	sshll.u32 s3, $0x5;
	_ =	strace $0x80000047;
	s31 =	ssub.s32 $0x2, s3  }
0x6: {  	s3 =	sadd.s32 $0x2800, s5;
	s8 =	sor.u32 s6, s4;
	s9 =	sshrl.u32 s31, $0x1  }
0x7: {  	s4 =	sadd.s32 $0x2000, s5;
	s7 =	sshll.u32 s8, $0x7;
	s6 =	ssub.s32 s31, s9  }
0x8: {  	v0 =	vmov s8;
	s8 =	simm.s32 $0x1;
	s9 =	simm.s32 $0xC000;
	s5 =	sadd.s32 s7, s5  }
0x9: {  	v1 =	vimm.f32 $0.0e+00;
	v2 =	vimm.f32 $1.000000000e+00;
	s6 =	smax.u32 s6, $0x1;
	s7 =	simm.s32 $0x8000;
	s5 =	sadd.s32 $0x3000, s5  }
.LBB2_1:
0xa: {  	[tilespmem:s7], [sflag:$0x1] =	stream.linear.gather [hbm4b:s3+s2], $0x4000, $0x38;
	[tilespmem:$0x10000] =	vst v63  }
0xb: {  	_ =	swait.ge [sflag:s8], $0x4000  }
0xc: {  	[sflag:s8] =	ssyncset.done $0x0  }
0xd: {  	[sflag:s8] =	ssyncadd.s32 $0xFFFFC000  }
0xe: {  	[tilespmem:s9], [sflag:$0x1] =	stream.linear.gather [hbm4b:s4+s2], $0x4000, $0x38;
	[tilespmem:$0x10000] =	vst v63  }
0xf: {  	_ =	swait.ge [sflag:s8], $0x4000  }
0x10: {  	[sflag:s8] =	ssyncset.done $0x0  }
0x11: {  	s11 =	simm.s32 $0x0;
	[sflag:s8] =	ssyncadd.s32 $0xFFFFC000  }
.LBB2_2:
0x12: {  	s12 =	sshll.u32 s11, $0xA;
	s13 =	sshll.u32 s11, $0x7  }
0x13: {  	s14 =	sand.u32 $0x6000, s12;
	s13 =	sand.u32 $0x380, s13;
	s12 =	simm.s32 $0x0  }
0x14: {  	s13 =	sor.u32 s13, s14;
	s31 =	sand.u32 $0x1C00, s12  }
0x15: {  	s15 =	sand.u32 $0x70, s12;
	s16 =	sadd.s32 s31, s13  }
0x16: {  	s14 =	simm.s32 $0x10;
	s15 =	sadd.s32 s15, s16  }
.LBB2_3:
0x17: {  	p0 =	sne.s32 s14, $0x3F0  }
0x18: {  	[tilespmem:s15+$0x0] =	vst v1;
	s12 =	sadd.s32 $0x80, s12;
	s15 =	smov.u32 s14;
	s14 =	sadd.s32 $0x10, s14  }
.Ltmp0:
0x19: {  	(pc) =	sbr.rel @p0 .LBB2_3-.Ltmp0, $4  }
0x1a: {  	_ = 	snop  }
0x1b: {  	s16 =	sand.u32 $0x1C00, s12  }
0x1c: {  	s15 =	sand.u32 $0x70, s15;
	s16 =	sadd.s32 s16, s13  }
0x1d: {  	s15 =	sadd.s32 s15, s16  }
0x1e: {  	s11 =	sadd.s32 $0x1, s11  }
0x1f: {  	p0 =	sne.s32 s11, $0x20  }
.Ltmp1:
0x20: {  	_ = 	snop;
	(pc) =	sbr.rel @p0 .LBB2_2-.Ltmp1, $2  }
0x21: {  	_ =	sdelay $0x2  }
0x22: {  	[tilespmem:s15+$0x0] =	vst v1  }
0x23: {  	s12 =	simm.s32 $0x0;
	s11 =	simm.s32 $0x40  }
.LBB2_6:
0x24: {  	p0 =	sne.s32 s11, $0xFFC0;
	v3 =	vld [tilespmem:s12+$0xC000];
	_ =	sdelay $0x1  }
0x25: {  	v4 =	vld [tilespmem:s12+$0x8000];
	_ =	sdelay $0x2  }
0x26: {  	v3 =	vsub.s32 v3, v0  }
0x27: {  	vm0 =	vlt.u32 v3, $0x20  }
0x28: {  	v3 =	vnsel vm0, $0x0, v3;
	v4 =	vnsel vm0, $0x0, v4  }
0x29: {  	v5 =	vshll.u32 v3, $0xA;
	v6 =	vshll.u32 v4, $0x3  }
0x2a: {  	v3 =	vshll.u32 v3, $0x7;
	v5 =	vand.u32 $0xFFFFE000, v5;
	v6 =	vand.u32 $0xFFFFFC00, v6  }
0x2b: {  	v3 =	vand.u32 $0x380, v3;
	v5 =	vadd.s32 v6, v5  }
0x2c: {  	v4 =	vand.u32 $0x7F, v4;
	v3 =	vor.u32 v3, v5  }
0x2d: {  	v3 =	vor.u32 v4, v3  }
.Ltmp2:
0x2e: {  	(pc) =	sbr.rel @p0 .LBB2_6-.Ltmp2, $2  }
0x2f: {  	_ =	sdelay $0x2  }
0x30: {  	s12 =	sshra.s32 s11, $0x2;
	s11 =	sadd.s32 $0x40, s11;
	[tilespmem:v3+s2+$0x0] =	vst.idx.add.f32.msk vm0, v2  }
0x31: {  	v3 =	vld [tilespmem:s12+$0xC000];
	_ =	sdelay $0x1  }
0x32: {  	v4 =	vld [tilespmem:s12+$0x8000];
	_ =	sdelay $0x2  }
0x33: {  	v3 =	vsub.s32 v3, v0  }
0x34: {  	vm0 =	vlt.u32 v3, $0x20  }
0x35: {  	v3 =	vnsel vm0, $0x0, v3;
	v4 =	vnsel vm0, $0x0, v4  }
0x36: {  	v5 =	vshll.u32 v3, $0xA;
	v6 =	vshll.u32 v4, $0x3  }
0x37: {  	v3 =	vshll.u32 v3, $0x7;
	v5 =	vand.u32 $0xFFFFE000, v5;
	v6 =	vand.u32 $0xFFFFFC00, v6  }
0x38: {  	v3 =	vand.u32 $0x380, v3;
	v5 =	vadd.s32 v6, v5  }
0x39: {  	v4 =	vand.u32 $0x7F, v4;
	v3 =	vor.u32 v3, v5  }
0x3a: {  	v3 =	vor.u32 v4, v3;
	_ =	sdelay $0x2  }
0x3b: {  	s10 =	sadd.s32 $0x1, s10  }
0x3c: {  	p0 =	sne.s32 s10, s6  }
.Ltmp3:
0x3d: {  	[tilespmem:v3+s2+$0x0] =	vst.idx.add.f32.msk vm0, v2;
	(pc) =	sbr.rel @p0 .LBB2_1-.Ltmp3, $4  }
0x3e: {  	[hbm4b:s5+s2] =	stream.linear.scatter [tilespmem:s2], [sflag:$0x1], $0x8000, $0x38;
	[tilespmem:$0x10000] =	vst v63  }
0x3f: {  	_ =	swait.ge [sflag:s8], $0x8000  }
0x40: {  	[sflag:s8] =	ssyncset.done $0x0  }
0x41: {  	[sflag:s8] =	ssyncadd.s32 $0xFFFF8000  }
0x42: {  	_ =	sfence.sel $0x180000  }
0x43: {  	[bflag:$0x0] =	sbarrier.arrive $0xFFFF  }
0x44: {  	p0 =	sne.s32 s1, $0x0;
	_ =	strace $0x90000047  }
0x45: {  	s0 =	sadd.s32 @!p0 $0x100000, s0;
	[bflag:$0x2] =	sbarrier.arrive $0xFFFF  }
0x46: {  	[sflag:s0] =	ssyncadd.tile.s32 @!p0 $0x1;
	_ =	shalt  }
.Lfunc_end2:
_tile_overlayer_lowered:
.L_overlay_start_2:
0x47: {  	(tag) =	ssettag $0x2  }
0x48: {  	s0 =	rddreg [dreg:$0x0];
	s2 =	stileid.u32  }
0x49: {  	s1 =	rddreg [dreg:$0x1];
	p0 =	sne.s32 s2, $0x0  }
0x4a: {  	s3 =	rddreg [dreg:$0x2];
	[bflag:$0x3] =	sbarrier.arrive $0xFFFF;
	s2 =	simm.s32 @!p0 $0x1C01  }
0x4b: {  	[timem:s3], [sflag:s2] =	dma.local @!p0 [hbm:s0], s1  }
0x4c: {  	s0 =	simm.s32 @!p0 $0x1  }
0x4d: {  	_ =	swait.ge @!p0 [sflag:s0], s1  }
0x4e: {  	s1 =	ssub.s32 @!p0 $0x0, s1;
	[sflag:s0] =	ssyncset.done @!p0 $0x0  }
0x4f: {  	[sflag:s0] =	ssyncadd.s32 @!p0 s1  }
0x50: {  	[bflag:$0x3] =	sbarrier.arrive $0xFFFF  }
0x51: {  	_ =	shalt  }

</sc_bundles>
